<compile_context>
chip_gen: v7x
topology: tpu7x:2x2x1
jax: 0.10.2.dev20260603
libtpu: 0.0.44.dev20260713+nightly
codegen_flags: <defaults>
</compile_context>

<pallas_src>
import functools

import jax
import jax.numpy as jnp
from jax import lax
from jax.experimental import pallas as pl
from jax.experimental.pallas import tpu as pltpu
from jax.experimental.pallas import tpu_sc as plsc

L = 16
NW = 16
N_IN = 16384
CPT = N_IN // NW
NV = 5
D = 14

_mesh = plsc.VectorSubcoreMesh(core_axis_name="c", subcore_axis_name="s",
                               num_cores=1)


@functools.partial(
    pl.kernel,
    mesh=_mesh,
    out_type=jax.ShapeDtypeStruct((NW, L), jnp.float32),
    scratch_types=[
        pltpu.VMEM((CPT,), jnp.int32),
        pltpu.VMEM((L,), jnp.float32),
    ],
)
def _sc_histogram(e_hbm, out_hbm, idx_v, part_v):
    s = lax.axis_index("s")
    wid = s
    lane = lax.broadcasted_iota(jnp.int32, (L,), 0)

    def lane_sum(x):
        for sh in (8, 4, 2, 1):
            x = x + x.at[lane ^ sh].get(mode="promise_in_bounds",
                                        unique_indices=True)
        return x

    pltpu.sync_copy(e_hbm.at[pl.ds(wid * CPT, CPT)], idx_v)

    VPI = 2

    def body(it, acc):
        base = it * (VPI * L)
        for k in range(VPI):
            x = jnp.maximum(idx_v[pl.ds(base + k * L, L)], 0)
            acc = tuple(acc[v] + jnp.where(x == v, 1.0, 0.0)
                        for v in range(NV - 1))
        return acc

    acc = lax.fori_loop(0, CPT // (VPI * L), body,
                        tuple(jnp.zeros((L,), jnp.float32)
                              for _ in range(NV - 1)))
    cs = [lane_sum(a) for a in acc]
    cs.append(jnp.float32(CPT) - cs[0] - cs[1] - cs[2] - cs[3])
    part = jnp.zeros((L,), jnp.float32)
    for v in range(NV):
        part = jnp.where(lane == v, cs[v], part)
    part_v[...] = part
    pltpu.sync_copy(part_v, out_hbm.at[wid])


def _tc_tail(part_ref, a_ref, b_ref, w0_ref, w1_ref, w2_ref, out_ref):
    bf = jnp.bfloat16
    counts = jnp.sum(part_ref[...], axis=0)
    c5 = counts[:NV]
    e0 = jnp.sum(jnp.sum(w0_ref[...], axis=0) * c5[:, None], axis=0)
    e1 = jnp.sum(jnp.sum(w1_ref[...], axis=0) * c5[:, None], axis=0)
    e2 = jnp.sum(jnp.sum(w2_ref[...], axis=0) * c5[:, None], axis=0)
    mm0 = jax.lax.dot_general(
        a_ref[...].astype(bf), b_ref[...].astype(bf),
        (((1,), (0,)), ((), ())),
        preferred_element_type=jnp.float32)
    mm1 = mm0 * e0[None, :]
    mm2 = jax.lax.dot_general(
        e1[None, :].astype(bf), mm1.astype(bf),
        (((1,), (0,)), ((), ())),
        preferred_element_type=jnp.float32)
    s = jnp.sum(e2 * mm2[0, :])
    out_ref[...] = jnp.full((1, 1), s, jnp.float32)


_tc_tail_call = pl.pallas_call(
    _tc_tail,
    out_shape=jax.ShapeDtypeStruct((1, 1), jnp.float32),
)


def kernel(mm_0_a, mm_0_b, eb_input, eb_offset, W0, W1, W2):
    del eb_offset
    part = _sc_histogram(eb_input)
    return _tc_tail_call(part, mm_0_a, mm_0_b, W0, W1, W2)

# --- scband reference (transcript-rebuilt; emitter-appended) ---
"""Pipeline reference for scband-sample-group-embedding-bag-10548439679488 (READ-ONLY COPY).

The authoritative reference and input builder live on the scoring server;
editing this copy changes nothing except your own understanding.
"""

import jax, jax.numpy as jnp
import numpy as np


def _embedding_bag_sum(table, inp, offsets):
    # torch.nn.EmbeddingBag(mode='sum'): gather rows then segment-sum per bag
    emb = jnp.take(table, inp, axis=0)
    seg = jnp.searchsorted(offsets, jnp.arange(inp.shape[0]), side='right') - 1
    return jax.ops.segment_sum(emb, seg, num_segments=offsets.shape[0])


def setup_inputs(seed: int = 0) -> dict:
    key = jax.random.key(seed)
    ks = jax.random.split(key, 6)
    mm_0_a = jax.random.normal(ks[0], (14, 64), dtype=jnp.float32)
    mm_0_b = jax.random.normal(ks[1], (64, 1), dtype=jnp.float32)
    eb_input = jax.random.randint(ks[2], (16384,), 0, 5, dtype=jnp.int32)
    eb_offset = jnp.arange(512, dtype=jnp.int32)
    # learned parameters: 3 groups of EmbeddingBag tables, each (5, 14)
    W0 = 0.05 * jax.random.normal(ks[3], (5, 5, 14), dtype=jnp.float32)
    W1 = 0.05 * jax.random.normal(ks[4], (10, 5, 14), dtype=jnp.float32)
    W2 = 0.05 * jax.random.normal(ks[5], (5, 5, 14), dtype=jnp.float32)
    return {"mm_0_a": mm_0_a, "mm_0_b": mm_0_b, "eb_input": eb_input, "eb_offset": eb_offset, "W0": W0, "W1": W1, "W2": W2}


def reference(mm_0_a, mm_0_b, eb_input, eb_offset, W0, W1, W2):
    mm_0_output = mm_0_a @ mm_0_b  # [14, 1]
    outs0 = jnp.concatenate([_embedding_bag_sum(W0[i], eb_input, eb_offset) for i in range(5)], axis=0)
    eb_sum_0 = jnp.sum(outs0, axis=0)[None, :]  # [1, 14]
    mm_1_output = mm_0_output @ eb_sum_0  # [14, 14]
    outs1 = jnp.concatenate([_embedding_bag_sum(W1[i], eb_input, eb_offset) for i in range(10)], axis=0)
    eb_sum_1 = jnp.sum(outs1, axis=0)[None, :]  # [1, 14]
    mm_2_output = eb_sum_1 @ mm_1_output  # [1, 14]
    outs2 = jnp.concatenate([_embedding_bag_sum(W2[i], eb_input, eb_offset) for i in range(5)], axis=0)
    eb_sum_2 = jnp.sum(outs2, axis=0)[None, :]  # [1, 14]
    mm_3_output = eb_sum_2 @ jnp.transpose(mm_2_output, (1, 0))  # [1, 1]
    return mm_3_output

if __name__ == "__main__":
    import jax
    _d = setup_inputs()
    print(jax.jit(kernel)(*tuple(_d.values())))

</pallas_src>

<mosaic_0001>
#map = affine_map<(d0, d1) -> (0)>
#map1 = affine_map<(d0, d1) -> (0, 0)>
module attributes {stable_mosaic.version = 14 : i64} {
  func.func @_sc_histogram(%arg0: i32, %arg1: i32, %arg2: memref<16384xi32, #tpu.memory_space<hbm>>, %arg3: memref<16x16xf32, #tpu.memory_space<hbm>>, %arg4: memref<1024xi32, #tpu.memory_space<vmem>>, %arg5: memref<16xf32, #tpu.memory_space<vmem>>) attributes {dimension_semantics = [#tpu.dimension_semantics<core_parallel>, #tpu.dimension_semantics<subcore_parallel>], iteration_bounds = array<i64: 1, 16>, scalar_prefetch = 0 : i64, scratch_operands = 2 : i64, tpu.core_type = #tpu.core_type<sc_vector_subcore>, window_params = [{transform_indices = #map}, {transform_indices = #map1}]} {
    %iota3A = tpu.iota {dimensions = array<i32: 0>} : vector<16xi32>
    %mul3A = arith.constant 1024 : i32
    %mul3A_0 = arith.muli %arg1, %mul3A : i32
    "tpu.region"() ({
      %run_scoped3A = tpu.sem_alloc : memref<!tpu.dma_semaphore, #tpu.memory_space<semaphore_mem>>
      %dma_start3A = tpu.memref_slice %arg2[%mul3A_0] : memref<16384xi32, #tpu.memory_space<hbm>> -> memref<1024xi32, #tpu.memory_space<hbm>>
      %dma_start3A_261 = tpu.memref_slice %arg2[%mul3A_0] : memref<16384xi32, #tpu.memory_space<hbm>> -> memref<1024xi32, #tpu.memory_space<hbm>>
      tpu.enqueue_dma source(%dma_start3A_261 : memref<1024xi32, #tpu.memory_space<hbm>>) target(%arg4 : memref<1024xi32, #tpu.memory_space<vmem>>) target_semaphore(%run_scoped3A : memref<!tpu.dma_semaphore, #tpu.memory_space<semaphore_mem>>)
      %dma_wait3A = tpu.memref_slice %arg2[%mul3A_0] : memref<16384xi32, #tpu.memory_space<hbm>> -> memref<1024xi32, #tpu.memory_space<hbm>>
      %dma_wait3A_262 = tpu.memref_slice %arg2[%mul3A_0] : memref<16384xi32, #tpu.memory_space<hbm>> -> memref<1024xi32, #tpu.memory_space<hbm>>
      tpu.wait_dma2 semaphore(%run_scoped3A : memref<!tpu.dma_semaphore, #tpu.memory_space<semaphore_mem>>) src(%dma_wait3A_262 : memref<1024xi32, #tpu.memory_space<hbm>>) dst(%arg4 : memref<1024xi32, #tpu.memory_space<vmem>>)
      tpu.yield
    }) : () -> ()
    %broadcast_in_dim3A = arith.constant 0.000000e+00 : f32
    %broadcast_in_dim3A_1 = vector.broadcast %broadcast_in_dim3A : f32 to vector<16xf32>
    %broadcast_in_dim3A_2 = arith.constant 0.000000e+00 : f32
    %broadcast_in_dim3A_3 = vector.broadcast %broadcast_in_dim3A_2 : f32 to vector<16xf32>
    %broadcast_in_dim3A_4 = arith.constant 0.000000e+00 : f32
    %broadcast_in_dim3A_5 = vector.broadcast %broadcast_in_dim3A_4 : f32 to vector<16xf32>
    %broadcast_in_dim3A_6 = arith.constant 0.000000e+00 : f32
    %broadcast_in_dim3A_7 = vector.broadcast %broadcast_in_dim3A_6 : f32 to vector<16xf32>
    %scan3A = arith.constant 0 : i32
    %scan3A_8 = arith.constant 32 : i32
    %scan3A_9 = arith.addi %scan3A, %scan3A_8 : i32
    %scan3A_10 = arith.constant 1 : i32
    %scan3A_11:4 = scf.for %scan3A_261 = %scan3A to %scan3A_9 step %scan3A_10 iter_args(%scan3A_262 = %broadcast_in_dim3A_1, %scan3A_263 = %broadcast_in_dim3A_3, %scan3A_264 = %broadcast_in_dim3A_5, %scan3A_265 = %broadcast_in_dim3A_7) -> (vector<16xf32>, vector<16xf32>, vector<16xf32>, vector<16xf32>)  : i32 {
      %mul3A_266 = arith.constant 32 : i32
      %mul3A_267 = arith.muli %scan3A_261, %mul3A_266 : i32
      %add3A_268 = arith.constant 0 : i32
      %add3A_269 = arith.addi %mul3A_267, %add3A_268 : i32
      %get3A = arith.index_cast %add3A_269 : i32 to index
      %get3A_270 = tpu.vector_load %arg4[%get3A] {strides = array<i32>} : memref<1024xi32, #tpu.memory_space<vmem>>, vector<16xi32>,
      %get3A_271 = vector.shape_cast %get3A_270 : vector<16xi32> to vector<16xi32>
      %max3A = arith.constant 0 : i32
      %max3A_272 = vector.broadcast %max3A : i32 to vector<16xi32>
      %max3A_273 = arith.maxsi %get3A_271, %max3A_272 : vector<16xi32>
      %eq3A_274 = arith.constant 0 : i32
      %eq3A_275 = vector.broadcast %eq3A_274 : i32 to vector<16xi32>
      %eq3A_276 = arith.cmpi eq, %max3A_273, %eq3A_275 : vector<16xi32>
      %jit3A = arith.constant 1.000000e+00 : f32
      %jit3A_277 = arith.constant 0.000000e+00 : f32
      %broadcast_in_dim3A_278 = vector.broadcast %jit3A : f32 to vector<16xf32>
      %broadcast_in_dim3A_279 = vector.broadcast %jit3A_277 : f32 to vector<16xf32>
      %select_n3A_280 = arith.select %eq3A_276, %broadcast_in_dim3A_278, %broadcast_in_dim3A_279 : vector<16xi1>, vector<16xf32>
      %add3A_281 = arith.addf %scan3A_262, %select_n3A_280 : vector<16xf32>
      %eq3A_282 = arith.constant 1 : i32
      %eq3A_283 = vector.broadcast %eq3A_282 : i32 to vector<16xi32>
      %eq3A_284 = arith.cmpi eq, %max3A_273, %eq3A_283 : vector<16xi32>
      %jit3A_285 = arith.constant 1.000000e+00 : f32
      %jit3A_286 = arith.constant 0.000000e+00 : f32
      %broadcast_in_dim3A_287 = vector.broadcast %jit3A_285 : f32 to vector<16xf32>
      %broadcast_in_dim3A_288 = vector.broadcast %jit3A_286 : f32 to vector<16xf32>
      %select_n3A_289 = arith.select %eq3A_284, %broadcast_in_dim3A_287, %broadcast_in_dim3A_288 : vector<16xi1>, vector<16xf32>
      %add3A_290 = arith.addf %scan3A_263, %select_n3A_289 : vector<16xf32>
      %eq3A_291 = arith.constant 2 : i32
      %eq3A_292 = vector.broadcast %eq3A_291 : i32 to vector<16xi32>
      %eq3A_293 = arith.cmpi eq, %max3A_273, %eq3A_292 : vector<16xi32>
      %jit3A_294 = arith.constant 1.000000e+00 : f32
      %jit3A_295 = arith.constant 0.000000e+00 : f32
      %broadcast_in_dim3A_296 = vector.broadcast %jit3A_294 : f32 to vector<16xf32>
      %broadcast_in_dim3A_297 = vector.broadcast %jit3A_295 : f32 to vector<16xf32>
      %select_n3A_298 = arith.select %eq3A_293, %broadcast_in_dim3A_296, %broadcast_in_dim3A_297 : vector<16xi1>, vector<16xf32>
      %add3A_299 = arith.addf %scan3A_264, %select_n3A_298 : vector<16xf32>
      %eq3A_300 = arith.constant 3 : i32
      %eq3A_301 = vector.broadcast %eq3A_300 : i32 to vector<16xi32>
      %eq3A_302 = arith.cmpi eq, %max3A_273, %eq3A_301 : vector<16xi32>
      %jit3A_303 = arith.constant 1.000000e+00 : f32
      %jit3A_304 = arith.constant 0.000000e+00 : f32
      %broadcast_in_dim3A_305 = vector.broadcast %jit3A_303 : f32 to vector<16xf32>
      %broadcast_in_dim3A_306 = vector.broadcast %jit3A_304 : f32 to vector<16xf32>
      %select_n3A_307 = arith.select %eq3A_302, %broadcast_in_dim3A_305, %broadcast_in_dim3A_306 : vector<16xi1>, vector<16xf32>
      %add3A_308 = arith.addf %scan3A_265, %select_n3A_307 : vector<16xf32>
      %add3A_309 = arith.constant 16 : i32
      %add3A_310 = arith.addi %mul3A_267, %add3A_309 : i32
      %get3A_311 = arith.index_cast %add3A_310 : i32 to index
      %get3A_312 = tpu.vector_load %arg4[%get3A_311] {strides = array<i32>} : memref<1024xi32, #tpu.memory_space<vmem>>, vector<16xi32>,
      %get3A_313 = vector.shape_cast %get3A_312 : vector<16xi32> to vector<16xi32>
      %max3A_314 = arith.constant 0 : i32
      %max3A_315 = vector.broadcast %max3A_314 : i32 to vector<16xi32>
      %max3A_316 = arith.maxsi %get3A_313, %max3A_315 : vector<16xi32>
      %eq3A_317 = arith.constant 0 : i32
      %eq3A_318 = vector.broadcast %eq3A_317 : i32 to vector<16xi32>
      %eq3A_319 = arith.cmpi eq, %max3A_316, %eq3A_318 : vector<16xi32>
      %jit3A_320 = arith.constant 1.000000e+00 : f32
      %jit3A_321 = arith.constant 0.000000e+00 : f32
      %broadcast_in_dim3A_322 = vector.broadcast %jit3A_320 : f32 to vector<16xf32>
      %broadcast_in_dim3A_323 = vector.broadcast %jit3A_321 : f32 to vector<16xf32>
      %select_n3A_324 = arith.select %eq3A_319, %broadcast_in_dim3A_322, %broadcast_in_dim3A_323 : vector<16xi1>, vector<16xf32>
      %add3A_325 = arith.addf %add3A_281, %select_n3A_324 : vector<16xf32>
      %eq3A_326 = arith.constant 1 : i32
      %eq3A_327 = vector.broadcast %eq3A_326 : i32 to vector<16xi32>
      %eq3A_328 = arith.cmpi eq, %max3A_316, %eq3A_327 : vector<16xi32>
      %jit3A_329 = arith.constant 1.000000e+00 : f32
      %jit3A_330 = arith.constant 0.000000e+00 : f32
      %broadcast_in_dim3A_331 = vector.broadcast %jit3A_329 : f32 to vector<16xf32>
      %broadcast_in_dim3A_332 = vector.broadcast %jit3A_330 : f32 to vector<16xf32>
      %select_n3A_333 = arith.select %eq3A_328, %broadcast_in_dim3A_331, %broadcast_in_dim3A_332 : vector<16xi1>, vector<16xf32>
      %add3A_334 = arith.addf %add3A_290, %select_n3A_333 : vector<16xf32>
      %eq3A_335 = arith.constant 2 : i32
      %eq3A_336 = vector.broadcast %eq3A_335 : i32 to vector<16xi32>
      %eq3A_337 = arith.cmpi eq, %max3A_316, %eq3A_336 : vector<16xi32>
      %jit3A_338 = arith.constant 1.000000e+00 : f32
      %jit3A_339 = arith.constant 0.000000e+00 : f32
      %broadcast_in_dim3A_340 = vector.broadcast %jit3A_338 : f32 to vector<16xf32>
      %broadcast_in_dim3A_341 = vector.broadcast %jit3A_339 : f32 to vector<16xf32>
      %select_n3A_342 = arith.select %eq3A_337, %broadcast_in_dim3A_340, %broadcast_in_dim3A_341 : vector<16xi1>, vector<16xf32>
      %add3A_343 = arith.addf %add3A_299, %select_n3A_342 : vector<16xf32>
      %eq3A_344 = arith.constant 3 : i32
      %eq3A_345 = vector.broadcast %eq3A_344 : i32 to vector<16xi32>
      %eq3A_346 = arith.cmpi eq, %max3A_316, %eq3A_345 : vector<16xi32>
      %jit3A_347 = arith.constant 1.000000e+00 : f32
      %jit3A_348 = arith.constant 0.000000e+00 : f32
      %broadcast_in_dim3A_349 = vector.broadcast %jit3A_347 : f32 to vector<16xf32>
      %broadcast_in_dim3A_350 = vector.broadcast %jit3A_348 : f32 to vector<16xf32>
      %select_n3A_351 = arith.select %eq3A_346, %broadcast_in_dim3A_349, %broadcast_in_dim3A_350 : vector<16xi1>, vector<16xf32>
      %add3A_352 = arith.addf %add3A_308, %select_n3A_351 : vector<16xf32>
      scf.yield %add3A_325, %add3A_334, %add3A_343, %add3A_352 : vector<16xf32>, vector<16xf32>, vector<16xf32>, vector<16xf32>
    }
    %scan3A_12 = arith.constant 32 : i32
    %xor3A = arith.constant 8 : i32
    %xor3A_13 = vector.broadcast %xor3A : i32 to vector<16xi32>
    %xor3A_14 = arith.xori %iota3A, %xor3A_13 : vector<16xi32>
    %lt3A = arith.constant 0 : i32
    %lt3A_15 = vector.broadcast %lt3A : i32 to vector<16xi32>
    %lt3A_16 = arith.cmpi slt, %xor3A_14, %lt3A_15 : vector<16xi32>
    %add3A = arith.constant 16 : i32
    %add3A_17 = vector.broadcast %add3A : i32 to vector<16xi32>
    %add3A_18 = arith.addi %xor3A_14, %add3A_17 : vector<16xi32>
    %select_n3A = arith.select %lt3A_16, %add3A_18, %xor3A_14 : vector<16xi1>, vector<16xi32>
    %broadcast_in_dim3A_19 = vector.shape_cast %select_n3A : vector<16xi32> to vector<16x1xi32>
    %gather3A = vector.shape_cast %broadcast_in_dim3A_19 : vector<16x1xi32> to vector<16xi32>
    %gather3A_20 = tpu.dynamic_gather %scan3A_11#0[%gather3A] in [0] : vector<16xf32>, vector<16xi32> -> vector<16xf32>
    %add3A_21 = arith.addf %scan3A_11#0, %gather3A_20 : vector<16xf32>
    %xor3A_22 = arith.constant 4 : i32
    %xor3A_23 = vector.broadcast %xor3A_22 : i32 to vector<16xi32>
    %xor3A_24 = arith.xori %iota3A, %xor3A_23 : vector<16xi32>
    %lt3A_25 = arith.constant 0 : i32
    %lt3A_26 = vector.broadcast %lt3A_25 : i32 to vector<16xi32>
    %lt3A_27 = arith.cmpi slt, %xor3A_24, %lt3A_26 : vector<16xi32>
    %add3A_28 = arith.constant 16 : i32
    %add3A_29 = vector.broadcast %add3A_28 : i32 to vector<16xi32>
    %add3A_30 = arith.addi %xor3A_24, %add3A_29 : vector<16xi32>
    %select_n3A_31 = arith.select %lt3A_27, %add3A_30, %xor3A_24 : vector<16xi1>, vector<16xi32>
    %broadcast_in_dim3A_32 = vector.shape_cast %select_n3A_31 : vector<16xi32> to vector<16x1xi32>
    %gather3A_33 = vector.shape_cast %broadcast_in_dim3A_32 : vector<16x1xi32> to vector<16xi32>
    %gather3A_34 = tpu.dynamic_gather %add3A_21[%gather3A_33] in [0] : vector<16xf32>, vector<16xi32> -> vector<16xf32>
    %add3A_35 = arith.addf %add3A_21, %gather3A_34 : vector<16xf32>
    %xor3A_36 = arith.constant 2 : i32
    %xor3A_37 = vector.broadcast %xor3A_36 : i32 to vector<16xi32>
    %xor3A_38 = arith.xori %iota3A, %xor3A_37 : vector<16xi32>
    %lt3A_39 = arith.constant 0 : i32
    %lt3A_40 = vector.broadcast %lt3A_39 : i32 to vector<16xi32>
    %lt3A_41 = arith.cmpi slt, %xor3A_38, %lt3A_40 : vector<16xi32>
    %add3A_42 = arith.constant 16 : i32
    %add3A_43 = vector.broadcast %add3A_42 : i32 to vector<16xi32>
    %add3A_44 = arith.addi %xor3A_38, %add3A_43 : vector<16xi32>
    %select_n3A_45 = arith.select %lt3A_41, %add3A_44, %xor3A_38 : vector<16xi1>, vector<16xi32>
    %broadcast_in_dim3A_46 = vector.shape_cast %select_n3A_45 : vector<16xi32> to vector<16x1xi32>
    %gather3A_47 = vector.shape_cast %broadcast_in_dim3A_46 : vector<16x1xi32> to vector<16xi32>
    %gather3A_48 = tpu.dynamic_gather %add3A_35[%gather3A_47] in [0] : vector<16xf32>, vector<16xi32> -> vector<16xf32>
    %add3A_49 = arith.addf %add3A_35, %gather3A_48 : vector<16xf32>
    %xor3A_50 = arith.constant 1 : i32
    %xor3A_51 = vector.broadcast %xor3A_50 : i32 to vector<16xi32>
    %xor3A_52 = arith.xori %iota3A, %xor3A_51 : vector<16xi32>
    %lt3A_53 = arith.constant 0 : i32
    %lt3A_54 = vector.broadcast %lt3A_53 : i32 to vector<16xi32>
    %lt3A_55 = arith.cmpi slt, %xor3A_52, %lt3A_54 : vector<16xi32>
    %add3A_56 = arith.constant 16 : i32
    %add3A_57 = vector.broadcast %add3A_56 : i32 to vector<16xi32>
    %add3A_58 = arith.addi %xor3A_52, %add3A_57 : vector<16xi32>
    %select_n3A_59 = arith.select %lt3A_55, %add3A_58, %xor3A_52 : vector<16xi1>, vector<16xi32>
    %broadcast_in_dim3A_60 = vector.shape_cast %select_n3A_59 : vector<16xi32> to vector<16x1xi32>
    %gather3A_61 = vector.shape_cast %broadcast_in_dim3A_60 : vector<16x1xi32> to vector<16xi32>
    %gather3A_62 = tpu.dynamic_gather %add3A_49[%gather3A_61] in [0] : vector<16xf32>, vector<16xi32> -> vector<16xf32>
    %add3A_63 = arith.addf %add3A_49, %gather3A_62 : vector<16xf32>
    %xor3A_64 = arith.constant 8 : i32
    %xor3A_65 = vector.broadcast %xor3A_64 : i32 to vector<16xi32>
    %xor3A_66 = arith.xori %iota3A, %xor3A_65 : vector<16xi32>
    %lt3A_67 = arith.constant 0 : i32
    %lt3A_68 = vector.broadcast %lt3A_67 : i32 to vector<16xi32>
    %lt3A_69 = arith.cmpi slt, %xor3A_66, %lt3A_68 : vector<16xi32>
    %add3A_70 = arith.constant 16 : i32
    %add3A_71 = vector.broadcast %add3A_70 : i32 to vector<16xi32>
    %add3A_72 = arith.addi %xor3A_66, %add3A_71 : vector<16xi32>
    %select_n3A_73 = arith.select %lt3A_69, %add3A_72, %xor3A_66 : vector<16xi1>, vector<16xi32>
    %broadcast_in_dim3A_74 = vector.shape_cast %select_n3A_73 : vector<16xi32> to vector<16x1xi32>
    %gather3A_75 = vector.shape_cast %broadcast_in_dim3A_74 : vector<16x1xi32> to vector<16xi32>
    %gather3A_76 = tpu.dynamic_gather %scan3A_11#1[%gather3A_75] in [0] : vector<16xf32>, vector<16xi32> -> vector<16xf32>
    %add3A_77 = arith.addf %scan3A_11#1, %gather3A_76 : vector<16xf32>
    %xor3A_78 = arith.constant 4 : i32
    %xor3A_79 = vector.broadcast %xor3A_78 : i32 to vector<16xi32>
    %xor3A_80 = arith.xori %iota3A, %xor3A_79 : vector<16xi32>
    %lt3A_81 = arith.constant 0 : i32
    %lt3A_82 = vector.broadcast %lt3A_81 : i32 to vector<16xi32>
    %lt3A_83 = arith.cmpi slt, %xor3A_80, %lt3A_82 : vector<16xi32>
    %add3A_84 = arith.constant 16 : i32
    %add3A_85 = vector.broadcast %add3A_84 : i32 to vector<16xi32>
    %add3A_86 = arith.addi %xor3A_80, %add3A_85 : vector<16xi32>
    %select_n3A_87 = arith.select %lt3A_83, %add3A_86, %xor3A_80 : vector<16xi1>, vector<16xi32>
    %broadcast_in_dim3A_88 = vector.shape_cast %select_n3A_87 : vector<16xi32> to vector<16x1xi32>
    %gather3A_89 = vector.shape_cast %broadcast_in_dim3A_88 : vector<16x1xi32> to vector<16xi32>
    %gather3A_90 = tpu.dynamic_gather %add3A_77[%gather3A_89] in [0] : vector<16xf32>, vector<16xi32> -> vector<16xf32>
    %add3A_91 = arith.addf %add3A_77, %gather3A_90 : vector<16xf32>
    %xor3A_92 = arith.constant 2 : i32
    %xor3A_93 = vector.broadcast %xor3A_92 : i32 to vector<16xi32>
    %xor3A_94 = arith.xori %iota3A, %xor3A_93 : vector<16xi32>
    %lt3A_95 = arith.constant 0 : i32
    %lt3A_96 = vector.broadcast %lt3A_95 : i32 to vector<16xi32>
    %lt3A_97 = arith.cmpi slt, %xor3A_94, %lt3A_96 : vector<16xi32>
    %add3A_98 = arith.constant 16 : i32
    %add3A_99 = vector.broadcast %add3A_98 : i32 to vector<16xi32>
    %add3A_100 = arith.addi %xor3A_94, %add3A_99 : vector<16xi32>
    %select_n3A_101 = arith.select %lt3A_97, %add3A_100, %xor3A_94 : vector<16xi1>, vector<16xi32>
    %broadcast_in_dim3A_102 = vector.shape_cast %select_n3A_101 : vector<16xi32> to vector<16x1xi32>
    %gather3A_103 = vector.shape_cast %broadcast_in_dim3A_102 : vector<16x1xi32> to vector<16xi32>
    %gather3A_104 = tpu.dynamic_gather %add3A_91[%gather3A_103] in [0] : vector<16xf32>, vector<16xi32> -> vector<16xf32>
    %add3A_105 = arith.addf %add3A_91, %gather3A_104 : vector<16xf32>
    %xor3A_106 = arith.constant 1 : i32
    %xor3A_107 = vector.broadcast %xor3A_106 : i32 to vector<16xi32>
    %xor3A_108 = arith.xori %iota3A, %xor3A_107 : vector<16xi32>
    %lt3A_109 = arith.constant 0 : i32
    %lt3A_110 = vector.broadcast %lt3A_109 : i32 to vector<16xi32>
    %lt3A_111 = arith.cmpi slt, %xor3A_108, %lt3A_110 : vector<16xi32>
    %add3A_112 = arith.constant 16 : i32
    %add3A_113 = vector.broadcast %add3A_112 : i32 to vector<16xi32>
    %add3A_114 = arith.addi %xor3A_108, %add3A_113 : vector<16xi32>
    %select_n3A_115 = arith.select %lt3A_111, %add3A_114, %xor3A_108 : vector<16xi1>, vector<16xi32>
    %broadcast_in_dim3A_116 = vector.shape_cast %select_n3A_115 : vector<16xi32> to vector<16x1xi32>
    %gather3A_117 = vector.shape_cast %broadcast_in_dim3A_116 : vector<16x1xi32> to vector<16xi32>
    %gather3A_118 = tpu.dynamic_gather %add3A_105[%gather3A_117] in [0] : vector<16xf32>, vector<16xi32> -> vector<16xf32>
    %add3A_119 = arith.addf %add3A_105, %gather3A_118 : vector<16xf32>
    %xor3A_120 = arith.constant 8 : i32
    %xor3A_121 = vector.broadcast %xor3A_120 : i32 to vector<16xi32>
    %xor3A_122 = arith.xori %iota3A, %xor3A_121 : vector<16xi32>
    %lt3A_123 = arith.constant 0 : i32
    %lt3A_124 = vector.broadcast %lt3A_123 : i32 to vector<16xi32>
    %lt3A_125 = arith.cmpi slt, %xor3A_122, %lt3A_124 : vector<16xi32>
    %add3A_126 = arith.constant 16 : i32
    %add3A_127 = vector.broadcast %add3A_126 : i32 to vector<16xi32>
    %add3A_128 = arith.addi %xor3A_122, %add3A_127 : vector<16xi32>
    %select_n3A_129 = arith.select %lt3A_125, %add3A_128, %xor3A_122 : vector<16xi1>, vector<16xi32>
    %broadcast_in_dim3A_130 = vector.shape_cast %select_n3A_129 : vector<16xi32> to vector<16x1xi32>
    %gather3A_131 = vector.shape_cast %broadcast_in_dim3A_130 : vector<16x1xi32> to vector<16xi32>
    %gather3A_132 = tpu.dynamic_gather %scan3A_11#2[%gather3A_131] in [0] : vector<16xf32>, vector<16xi32> -> vector<16xf32>
    %add3A_133 = arith.addf %scan3A_11#2, %gather3A_132 : vector<16xf32>
    %xor3A_134 = arith.constant 4 : i32
    %xor3A_135 = vector.broadcast %xor3A_134 : i32 to vector<16xi32>
    %xor3A_136 = arith.xori %iota3A, %xor3A_135 : vector<16xi32>
    %lt3A_137 = arith.constant 0 : i32
    %lt3A_138 = vector.broadcast %lt3A_137 : i32 to vector<16xi32>
    %lt3A_139 = arith.cmpi slt, %xor3A_136, %lt3A_138 : vector<16xi32>
    %add3A_140 = arith.constant 16 : i32
    %add3A_141 = vector.broadcast %add3A_140 : i32 to vector<16xi32>
    %add3A_142 = arith.addi %xor3A_136, %add3A_141 : vector<16xi32>
    %select_n3A_143 = arith.select %lt3A_139, %add3A_142, %xor3A_136 : vector<16xi1>, vector<16xi32>
    %broadcast_in_dim3A_144 = vector.shape_cast %select_n3A_143 : vector<16xi32> to vector<16x1xi32>
    %gather3A_145 = vector.shape_cast %broadcast_in_dim3A_144 : vector<16x1xi32> to vector<16xi32>
    %gather3A_146 = tpu.dynamic_gather %add3A_133[%gather3A_145] in [0] : vector<16xf32>, vector<16xi32> -> vector<16xf32>
    %add3A_147 = arith.addf %add3A_133, %gather3A_146 : vector<16xf32>
    %xor3A_148 = arith.constant 2 : i32
    %xor3A_149 = vector.broadcast %xor3A_148 : i32 to vector<16xi32>
    %xor3A_150 = arith.xori %iota3A, %xor3A_149 : vector<16xi32>
    %lt3A_151 = arith.constant 0 : i32
    %lt3A_152 = vector.broadcast %lt3A_151 : i32 to vector<16xi32>
    %lt3A_153 = arith.cmpi slt, %xor3A_150, %lt3A_152 : vector<16xi32>
    %add3A_154 = arith.constant 16 : i32
    %add3A_155 = vector.broadcast %add3A_154 : i32 to vector<16xi32>
    %add3A_156 = arith.addi %xor3A_150, %add3A_155 : vector<16xi32>
    %select_n3A_157 = arith.select %lt3A_153, %add3A_156, %xor3A_150 : vector<16xi1>, vector<16xi32>
    %broadcast_in_dim3A_158 = vector.shape_cast %select_n3A_157 : vector<16xi32> to vector<16x1xi32>
    %gather3A_159 = vector.shape_cast %broadcast_in_dim3A_158 : vector<16x1xi32> to vector<16xi32>
    %gather3A_160 = tpu.dynamic_gather %add3A_147[%gather3A_159] in [0] : vector<16xf32>, vector<16xi32> -> vector<16xf32>
    %add3A_161 = arith.addf %add3A_147, %gather3A_160 : vector<16xf32>
    %xor3A_162 = arith.constant 1 : i32
    %xor3A_163 = vector.broadcast %xor3A_162 : i32 to vector<16xi32>
    %xor3A_164 = arith.xori %iota3A, %xor3A_163 : vector<16xi32>
    %lt3A_165 = arith.constant 0 : i32
    %lt3A_166 = vector.broadcast %lt3A_165 : i32 to vector<16xi32>
    %lt3A_167 = arith.cmpi slt, %xor3A_164, %lt3A_166 : vector<16xi32>
    %add3A_168 = arith.constant 16 : i32
    %add3A_169 = vector.broadcast %add3A_168 : i32 to vector<16xi32>
    %add3A_170 = arith.addi %xor3A_164, %add3A_169 : vector<16xi32>
    %select_n3A_171 = arith.select %lt3A_167, %add3A_170, %xor3A_164 : vector<16xi1>, vector<16xi32>
    %broadcast_in_dim3A_172 = vector.shape_cast %select_n3A_171 : vector<16xi32> to vector<16x1xi32>
    %gather3A_173 = vector.shape_cast %broadcast_in_dim3A_172 : vector<16x1xi32> to vector<16xi32>
    %gather3A_174 = tpu.dynamic_gather %add3A_161[%gather3A_173] in [0] : vector<16xf32>, vector<16xi32> -> vector<16xf32>
    %add3A_175 = arith.addf %add3A_161, %gather3A_174 : vector<16xf32>
    %xor3A_176 = arith.constant 8 : i32
    %xor3A_177 = vector.broadcast %xor3A_176 : i32 to vector<16xi32>
    %xor3A_178 = arith.xori %iota3A, %xor3A_177 : vector<16xi32>
    %lt3A_179 = arith.constant 0 : i32
    %lt3A_180 = vector.broadcast %lt3A_179 : i32 to vector<16xi32>
    %lt3A_181 = arith.cmpi slt, %xor3A_178, %lt3A_180 : vector<16xi32>
    %add3A_182 = arith.constant 16 : i32
    %add3A_183 = vector.broadcast %add3A_182 : i32 to vector<16xi32>
    %add3A_184 = arith.addi %xor3A_178, %add3A_183 : vector<16xi32>
    %select_n3A_185 = arith.select %lt3A_181, %add3A_184, %xor3A_178 : vector<16xi1>, vector<16xi32>
    %broadcast_in_dim3A_186 = vector.shape_cast %select_n3A_185 : vector<16xi32> to vector<16x1xi32>
    %gather3A_187 = vector.shape_cast %broadcast_in_dim3A_186 : vector<16x1xi32> to vector<16xi32>
    %gather3A_188 = tpu.dynamic_gather %scan3A_11#3[%gather3A_187] in [0] : vector<16xf32>, vector<16xi32> -> vector<16xf32>
    %add3A_189 = arith.addf %scan3A_11#3, %gather3A_188 : vector<16xf32>
    %xor3A_190 = arith.constant 4 : i32
    %xor3A_191 = vector.broadcast %xor3A_190 : i32 to vector<16xi32>
    %xor3A_192 = arith.xori %iota3A, %xor3A_191 : vector<16xi32>
    %lt3A_193 = arith.constant 0 : i32
    %lt3A_194 = vector.broadcast %lt3A_193 : i32 to vector<16xi32>
    %lt3A_195 = arith.cmpi slt, %xor3A_192, %lt3A_194 : vector<16xi32>
    %add3A_196 = arith.constant 16 : i32
    %add3A_197 = vector.broadcast %add3A_196 : i32 to vector<16xi32>
    %add3A_198 = arith.addi %xor3A_192, %add3A_197 : vector<16xi32>
    %select_n3A_199 = arith.select %lt3A_195, %add3A_198, %xor3A_192 : vector<16xi1>, vector<16xi32>
    %broadcast_in_dim3A_200 = vector.shape_cast %select_n3A_199 : vector<16xi32> to vector<16x1xi32>
    %gather3A_201 = vector.shape_cast %broadcast_in_dim3A_200 : vector<16x1xi32> to vector<16xi32>
    %gather3A_202 = tpu.dynamic_gather %add3A_189[%gather3A_201] in [0] : vector<16xf32>, vector<16xi32> -> vector<16xf32>
    %add3A_203 = arith.addf %add3A_189, %gather3A_202 : vector<16xf32>
    %xor3A_204 = arith.constant 2 : i32
    %xor3A_205 = vector.broadcast %xor3A_204 : i32 to vector<16xi32>
    %xor3A_206 = arith.xori %iota3A, %xor3A_205 : vector<16xi32>
    %lt3A_207 = arith.constant 0 : i32
    %lt3A_208 = vector.broadcast %lt3A_207 : i32 to vector<16xi32>
    %lt3A_209 = arith.cmpi slt, %xor3A_206, %lt3A_208 : vector<16xi32>
    %add3A_210 = arith.constant 16 : i32
    %add3A_211 = vector.broadcast %add3A_210 : i32 to vector<16xi32>
    %add3A_212 = arith.addi %xor3A_206, %add3A_211 : vector<16xi32>
    %select_n3A_213 = arith.select %lt3A_209, %add3A_212, %xor3A_206 : vector<16xi1>, vector<16xi32>
    %broadcast_in_dim3A_214 = vector.shape_cast %select_n3A_213 : vector<16xi32> to vector<16x1xi32>
    %gather3A_215 = vector.shape_cast %broadcast_in_dim3A_214 : vector<16x1xi32> to vector<16xi32>
    %gather3A_216 = tpu.dynamic_gather %add3A_203[%gather3A_215] in [0] : vector<16xf32>, vector<16xi32> -> vector<16xf32>
    %add3A_217 = arith.addf %add3A_203, %gather3A_216 : vector<16xf32>
    %xor3A_218 = arith.constant 1 : i32
    %xor3A_219 = vector.broadcast %xor3A_218 : i32 to vector<16xi32>
    %xor3A_220 = arith.xori %iota3A, %xor3A_219 : vector<16xi32>
    %lt3A_221 = arith.constant 0 : i32
    %lt3A_222 = vector.broadcast %lt3A_221 : i32 to vector<16xi32>
    %lt3A_223 = arith.cmpi slt, %xor3A_220, %lt3A_222 : vector<16xi32>
    %add3A_224 = arith.constant 16 : i32
    %add3A_225 = vector.broadcast %add3A_224 : i32 to vector<16xi32>
    %add3A_226 = arith.addi %xor3A_220, %add3A_225 : vector<16xi32>
    %select_n3A_227 = arith.select %lt3A_223, %add3A_226, %xor3A_220 : vector<16xi1>, vector<16xi32>
    %broadcast_in_dim3A_228 = vector.shape_cast %select_n3A_227 : vector<16xi32> to vector<16x1xi32>
    %gather3A_229 = vector.shape_cast %broadcast_in_dim3A_228 : vector<16x1xi32> to vector<16xi32>
    %gather3A_230 = tpu.dynamic_gather %add3A_217[%gather3A_229] in [0] : vector<16xf32>, vector<16xi32> -> vector<16xf32>
    %add3A_231 = arith.addf %add3A_217, %gather3A_230 : vector<16xf32>
    %sub3A = arith.constant 1.024000e+03 : f32
    %sub3A_232 = vector.broadcast %sub3A : f32 to vector<16xf32>
    %sub3A_233 = arith.subf %sub3A_232, %add3A_63 : vector<16xf32>
    %sub3A_234 = arith.subf %sub3A_233, %add3A_119 : vector<16xf32>
    %sub3A_235 = arith.subf %sub3A_234, %add3A_175 : vector<16xf32>
    %sub3A_236 = arith.subf %sub3A_235, %add3A_231 : vector<16xf32>
    %broadcast_in_dim3A_237 = arith.constant 0.000000e+00 : f32
    %broadcast_in_dim3A_238 = vector.broadcast %broadcast_in_dim3A_237 : f32 to vector<16xf32>
    %eq3A = arith.constant 0 : i32
    %eq3A_239 = vector.broadcast %eq3A : i32 to vector<16xi32>
    %eq3A_240 = arith.cmpi eq, %iota3A, %eq3A_239 : vector<16xi32>
    %select_n3A_241 = arith.select %eq3A_240, %add3A_63, %broadcast_in_dim3A_238 : vector<16xi1>, vector<16xf32>
    %eq3A_242 = arith.constant 1 : i32
    %eq3A_243 = vector.broadcast %eq3A_242 : i32 to vector<16xi32>
    %eq3A_244 = arith.cmpi eq, %iota3A, %eq3A_243 : vector<16xi32>
    %select_n3A_245 = arith.select %eq3A_244, %add3A_119, %select_n3A_241 : vector<16xi1>, vector<16xf32>
    %eq3A_246 = arith.constant 2 : i32
    %eq3A_247 = vector.broadcast %eq3A_246 : i32 to vector<16xi32>
    %eq3A_248 = arith.cmpi eq, %iota3A, %eq3A_247 : vector<16xi32>
    %select_n3A_249 = arith.select %eq3A_248, %add3A_175, %select_n3A_245 : vector<16xi1>, vector<16xf32>
    %eq3A_250 = arith.constant 3 : i32
    %eq3A_251 = vector.broadcast %eq3A_250 : i32 to vector<16xi32>
    %eq3A_252 = arith.cmpi eq, %iota3A, %eq3A_251 : vector<16xi32>
    %select_n3A_253 = arith.select %eq3A_252, %add3A_231, %select_n3A_249 : vector<16xi1>, vector<16xf32>
    %eq3A_254 = arith.constant 4 : i32
    %eq3A_255 = vector.broadcast %eq3A_254 : i32 to vector<16xi32>
    %eq3A_256 = arith.cmpi eq, %iota3A, %eq3A_255 : vector<16xi32>
    %select_n3A_257 = arith.select %eq3A_256, %sub3A_236, %select_n3A_253 : vector<16xi1>, vector<16xf32>
    %swap3A = arith.constant 0 : index
    %swap3A_258 = tpu.vector_load %arg5[%swap3A] {strides = array<i32>} : memref<16xf32, #tpu.memory_space<vmem>>, vector<16xf32>,
    %swap3A_259 = vector.shape_cast %swap3A_258 : vector<16xf32> to vector<16xf32>
    %swap3A_260 = vector.shape_cast %select_n3A_257 : vector<16xf32> to vector<16xf32>
    tpu.vector_store %arg5[%swap3A], %swap3A_260 {strides = array<i32>} : memref<16xf32, #tpu.memory_space<vmem>>, vector<16xf32>,
    "tpu.region"() ({
      %run_scoped3A = tpu.sem_alloc : memref<!tpu.dma_semaphore, #tpu.memory_space<semaphore_mem>>
      %dma_start3A = arith.constant 0 : i32
      %dma_start3A_261 = tpu.memref_slice %arg3[%arg1, %dma_start3A] : memref<16x16xf32, #tpu.memory_space<hbm>> -> memref<1x16xf32, #tpu.memory_space<hbm>>
      %dma_start3A_262 = tpu.memref_squeeze %dma_start3A_261 : memref<1x16xf32, #tpu.memory_space<hbm>> -> memref<16xf32, #tpu.memory_space<hbm>>
      %dma_start3A_263 = arith.constant 0 : i32
      %dma_start3A_264 = tpu.memref_slice %arg3[%arg1, %dma_start3A_263] : memref<16x16xf32, #tpu.memory_space<hbm>> -> memref<1x16xf32, #tpu.memory_space<hbm>>
      %dma_start3A_265 = tpu.memref_squeeze %dma_start3A_264 : memref<1x16xf32, #tpu.memory_space<hbm>> -> memref<16xf32, #tpu.memory_space<hbm>>
      tpu.enqueue_dma source(%arg5 : memref<16xf32, #tpu.memory_space<vmem>>) target(%dma_start3A_265 : memref<16xf32, #tpu.memory_space<hbm>>) target_semaphore(%run_scoped3A : memref<!tpu.dma_semaphore, #tpu.memory_space<semaphore_mem>>)
      %dma_wait3A = arith.constant 0 : i32
      %dma_wait3A_266 = tpu.memref_slice %arg3[%arg1, %dma_wait3A] : memref<16x16xf32, #tpu.memory_space<hbm>> -> memref<1x16xf32, #tpu.memory_space<hbm>>
      %dma_wait3A_267 = tpu.memref_squeeze %dma_wait3A_266 : memref<1x16xf32, #tpu.memory_space<hbm>> -> memref<16xf32, #tpu.memory_space<hbm>>
      %dma_wait3A_268 = arith.constant 0 : i32
      %dma_wait3A_269 = tpu.memref_slice %arg3[%arg1, %dma_wait3A_268] : memref<16x16xf32, #tpu.memory_space<hbm>> -> memref<1x16xf32, #tpu.memory_space<hbm>>
      %dma_wait3A_270 = tpu.memref_squeeze %dma_wait3A_269 : memref<1x16xf32, #tpu.memory_space<hbm>> -> memref<16xf32, #tpu.memory_space<hbm>>
      tpu.wait_dma2 semaphore(%run_scoped3A : memref<!tpu.dma_semaphore, #tpu.memory_space<semaphore_mem>>) src(%arg5 : memref<16xf32, #tpu.memory_space<vmem>>) dst(%dma_wait3A_270 : memref<16xf32, #tpu.memory_space<hbm>>)
      tpu.yield
    }) : () -> ()
    return
  }
}

module attributes {stable_mosaic.version = 14 : i64} {
  func.func @_tc_tail(%arg0: memref<16x16xf32, #tpu.memory_space<vmem>>, %arg1: memref<14x64xf32, #tpu.memory_space<vmem>>, %arg2: memref<64x1xf32, #tpu.memory_space<vmem>>, %arg3: memref<5x5x14xf32, #tpu.memory_space<vmem>>, %arg4: memref<10x5x14xf32, #tpu.memory_space<vmem>>, %arg5: memref<5x5x14xf32, #tpu.memory_space<vmem>>, %arg6: memref<1x1xf32, #tpu.memory_space<vmem>>) attributes {dimension_semantics = [], scalar_prefetch = 0 : i64, scratch_operands = 0 : i64, tpu.core_type = #tpu.core_type<tc>} {
    %get3A = arith.constant 0 : index
    %get3A_0 = arith.constant 0 : index
    %get3A_1 = vector.load %arg0[%get3A, %get3A_0] : memref<16x16xf32, #tpu.memory_space<vmem>>, vector<16x16xf32>
    %reduce_sum3A = arith.constant dense<0.000000e+00> : vector<16xf32>
    %reduce_sum3A_2 = vector.multi_reduction <add>, %get3A_1, %reduce_sum3A [0] : vector<16x16xf32> to vector<16xf32>
    %slice3A = vector.extract_strided_slice %reduce_sum3A_2 {offsets = [0], sizes = [5], strides = [1]} : vector<16xf32> to vector<5xf32>
    %get3A_3 = arith.constant 0 : index
    %get3A_4 = arith.constant 0 : index
    %get3A_5 = arith.constant 0 : index
    %get3A_6 = vector.load %arg3[%get3A_3, %get3A_4, %get3A_5] : memref<5x5x14xf32, #tpu.memory_space<vmem>>, vector<5x5x14xf32>
    %reduce_sum3A_7 = arith.constant dense<0.000000e+00> : vector<5x14xf32>
    %reduce_sum3A_8 = vector.multi_reduction <add>, %get3A_6, %reduce_sum3A_7 [0] : vector<5x5x14xf32> to vector<5x14xf32>
    %broadcast_in_dim3A = vector.shape_cast %slice3A : vector<5xf32> to vector<5x1xf32>
    %mul3A = vector.broadcast %broadcast_in_dim3A : vector<5x1xf32> to vector<5x14xf32>
    %mul3A_9 = arith.mulf %reduce_sum3A_8, %mul3A : vector<5x14xf32>
    %reduce_sum3A_10 = arith.constant dense<0.000000e+00> : vector<14xf32>
    %reduce_sum3A_11 = vector.multi_reduction <add>, %mul3A_9, %reduce_sum3A_10 [0] : vector<5x14xf32> to vector<14xf32>
    %get3A_12 = arith.constant 0 : index
    %get3A_13 = arith.constant 0 : index
    %get3A_14 = arith.constant 0 : index
    %get3A_15 = vector.load %arg4[%get3A_12, %get3A_13, %get3A_14] : memref<10x5x14xf32, #tpu.memory_space<vmem>>, vector<10x5x14xf32>
    %reduce_sum3A_16 = arith.constant dense<0.000000e+00> : vector<5x14xf32>
    %reduce_sum3A_17 = vector.multi_reduction <add>, %get3A_15, %reduce_sum3A_16 [0] : vector<10x5x14xf32> to vector<5x14xf32>
    %broadcast_in_dim3A_18 = vector.shape_cast %slice3A : vector<5xf32> to vector<5x1xf32>
    %mul3A_19 = vector.broadcast %broadcast_in_dim3A_18 : vector<5x1xf32> to vector<5x14xf32>
    %mul3A_20 = arith.mulf %reduce_sum3A_17, %mul3A_19 : vector<5x14xf32>
    %reduce_sum3A_21 = arith.constant dense<0.000000e+00> : vector<14xf32>
    %reduce_sum3A_22 = vector.multi_reduction <add>, %mul3A_20, %reduce_sum3A_21 [0] : vector<5x14xf32> to vector<14xf32>
    %get3A_23 = arith.constant 0 : index
    %get3A_24 = arith.constant 0 : index
    %get3A_25 = arith.constant 0 : index
    %get3A_26 = vector.load %arg5[%get3A_23, %get3A_24, %get3A_25] : memref<5x5x14xf32, #tpu.memory_space<vmem>>, vector<5x5x14xf32>
    %reduce_sum3A_27 = arith.constant dense<0.000000e+00> : vector<5x14xf32>
    %reduce_sum3A_28 = vector.multi_reduction <add>, %get3A_26, %reduce_sum3A_27 [0] : vector<5x5x14xf32> to vector<5x14xf32>
    %broadcast_in_dim3A_29 = vector.shape_cast %slice3A : vector<5xf32> to vector<5x1xf32>
    %mul3A_30 = vector.broadcast %broadcast_in_dim3A_29 : vector<5x1xf32> to vector<5x14xf32>
    %mul3A_31 = arith.mulf %reduce_sum3A_28, %mul3A_30 : vector<5x14xf32>
    %reduce_sum3A_32 = arith.constant dense<0.000000e+00> : vector<14xf32>
    %reduce_sum3A_33 = vector.multi_reduction <add>, %mul3A_31, %reduce_sum3A_32 [0] : vector<5x14xf32> to vector<14xf32>
    %get3A_34 = arith.constant 0 : index
    %get3A_35 = arith.constant 0 : index
    %get3A_36 = vector.load %arg1[%get3A_34, %get3A_35] : memref<14x64xf32, #tpu.memory_space<vmem>>, vector<14x64xf32>
    %convert_element_type3A = arith.truncf %get3A_36 : vector<14x64xf32> to vector<14x64xbf16>
    %get3A_37 = arith.constant 0 : index
    %get3A_38 = arith.constant 0 : index
    %get3A_39 = vector.load %arg2[%get3A_37, %get3A_38] : memref<64x1xf32, #tpu.memory_space<vmem>>, vector<64x1xf32>
    %convert_element_type3A_40 = arith.truncf %get3A_39 : vector<64x1xf32> to vector<64x1xbf16>
    %dot_general3A = arith.constant dense<0.000000e+00> : vector<14x1xf32>
    %dot_general3A_41 = tpu.matmul %convert_element_type3A, %convert_element_type3A_40, %dot_general3A {dimension_numbers = #tpu.dot_dimension_numbers<[1], [0], [0], [1], [0, 0, 1, 1], [], []>, transpose_lhs_hint = false} : vector<14x64xbf16>, vector<64x1xbf16>, vector<14x1xf32> -> vector<14x1xf32>
    %broadcast_in_dim3A_42 = vector.shape_cast %reduce_sum3A_11 : vector<14xf32> to vector<1x14xf32>
    %mul3A_43 = vector.broadcast %dot_general3A_41 : vector<14x1xf32> to vector<14x14xf32>
    %mul3A_44 = vector.broadcast %broadcast_in_dim3A_42 : vector<1x14xf32> to vector<14x14xf32>
    %mul3A_45 = arith.mulf %mul3A_43, %mul3A_44 : vector<14x14xf32>
    %broadcast_in_dim3A_46 = vector.shape_cast %reduce_sum3A_22 : vector<14xf32> to vector<1x14xf32>
    %convert_element_type3A_47 = arith.truncf %broadcast_in_dim3A_46 : vector<1x14xf32> to vector<1x14xbf16>
    %convert_element_type3A_48 = arith.truncf %mul3A_45 : vector<14x14xf32> to vector<14x14xbf16>
    %dot_general3A_49 = arith.constant dense<0.000000e+00> : vector<1x14xf32>
    %dot_general3A_50 = tpu.matmul %convert_element_type3A_47, %convert_element_type3A_48, %dot_general3A_49 {dimension_numbers = #tpu.dot_dimension_numbers<[1], [0], [0], [1], [0, 0, 1, 1], [], []>, transpose_lhs_hint = false} : vector<1x14xbf16>, vector<14x14xbf16>, vector<1x14xf32> -> vector<1x14xf32>
    %squeeze3A = vector.shape_cast %dot_general3A_50 : vector<1x14xf32> to vector<14xf32>
    %mul3A_51 = arith.mulf %reduce_sum3A_33, %squeeze3A : vector<14xf32>
    %reduce_sum3A_52 = vector.shape_cast %mul3A_51 : vector<14xf32> to vector<1x14xf32>
    %reduce_sum3A_53 = arith.constant dense<0.000000e+00> : vector<1xf32>
    %reduce_sum3A_54 = vector.multi_reduction <add>, %reduce_sum3A_52, %reduce_sum3A_53 [1] : vector<1x14xf32> to vector<1xf32>
    %reduce_sum3A_55 = vector.shape_cast %reduce_sum3A_54 : vector<1xf32> to vector<1x1xf32>
    %reduce_sum3A_56 = vector.extract %reduce_sum3A_55[0, 0] : f32 from vector<1x1xf32>
    %broadcast_in_dim3A_57 = vector.broadcast %reduce_sum3A_56 : f32 to vector<1x1xf32>
    %swap3A = arith.constant 0 : index
    %swap3A_58 = arith.constant 0 : index
    %swap3A_59 = vector.load %arg6[%swap3A, %swap3A_58] : memref<1x1xf32, #tpu.memory_space<vmem>>, vector<1x1xf32>
    tpu.vector_store %arg6[%swap3A, %swap3A_58], %broadcast_in_dim3A_57 {strides = array<i32>} : memref<1x1xf32, #tpu.memory_space<vmem>>, vector<1x1xf32>,
    return
  }
}

</mosaic_0001>

<sc_bundles>
// kernel: kernel.4.cloned.1.call-start
scs
__scs_entry_jumppad:
0x0: {  	(pc) =	sbr.rel $0x88, $3  }
0x1: {  	(tag) =	ssettag $0x0;
	lr =	simm.s32 $0x1  }
0x2: {  	[smem:$0x3F9B] =	sst lr;
	_ =	strace $0xD0000000  }
0x3: {  	_ = 	snop  }
0x4: {  	_ = 	snop  }
0x5: {  	_ = 	snop  }
0x6: {  	_ = 	snop  }
0x7: {  	_ = 	snop  }
__scs_overlays_trampoline_lowered:
0x8: {  	[smem:$0x3FAA] =	sst s0  }
0x9: {  	[smem:$0x3FAB] =	sst s1  }
0xa: {  	[smem:$0x3FAC] =	sst s2  }
0xb: {  	[smem:$0x3FAD] =	sst s3  }
0xc: {  	[smem:$0x3FAE] =	sst s4  }
0xd: {  	[smem:$0x3FAF] =	sst s5  }
0xe: {  	[smem:$0x3FB0] =	sst s6  }
0xf: {  	[smem:$0x3FB1] =	sst s7  }
0x10: {  	[smem:$0x3FB2] =	sst s8  }
0x11: {  	[smem:$0x3FB3] =	sst s9;
	s0 =	simm.s32 @!p0 $0x0  }
0x12: {  	s1 =	sld [smem:$0x3F99];
	s0 =	simm.s32 @p0 $0x1  }
0x13: {  	[smem:$0x3FB4] =	sst s0;
	s0 =	simm.s32 @!p1 $0x0  }
0x14: {  	s2 =	sld [smem:$0x3F98];
	s0 =	simm.s32 @p1 $0x1  }
0x15: {  	[smem:$0x3FB5] =	sst s0;
	s0 =	simm.s32 @!p2 $0x0  }
0x16: {  	s3 =	sld [smem:$0x3FDB];
	s0 =	simm.s32 @p2 $0x1  }
0x17: {  	s4 =	simm.s32 $0x1BF5;
	[smem:$0x3FB7] =	sst s0  }
0x18: {  	s0 =	sld [smem:$0x3F9A];
	_ =	swait.ge [sflag:s4], $0x0  }
0x19: {  	s7 =	sld [smem:$0x3F9B]  }
0x1a: {  	s8 =	sadd.s32 $0xFFFFE003, lr  }
0x1b: {  	s9 =	sadd.s32 $0xFFFFFEF7, lr;
	s5 =	simm.s32 $0xFFFFFFFF;
	p2 =	slt.u32 s8, $0xFFFFF086  }
0x1c: {  	p1 =	slt.u32 s9, $0xF7A;
	s5 =	simm.s32 @!p2 $0x0  }
0x1d: {  	s5 =	simm.s32 @p1 $0x1;
	p0 =	seq.s32 s7, s2  }
0x1e: {  	s7 =	smul.u32 @!p0 $0xF7A, s2;
	p2 =	seq.s32 @!p0 s5, $0x0  }
0x1f: {  	s9 =	smul.u32 $0xF7A, s1;
	s8 =	simm.s32 @!p0 $0x1BF5;
	p2 =	por !p2, p0  }
0x20: {  	[sflag:s8] =	ssyncset.s32 @!p0 $0xFFFFF086;
	s6 =	sadd.s32 @!p0 s3, s7;
	s7 =	simm.s32 @!p0 $0x108  }
0x21: {  	s3 =	sadd.s32 s3, s9;
	s6 =	sadd.s32 @!p0 $0x88, s6;
	s7 =	simm.s32 @p2 $0x1082  }
0x22: {  	[simem:s7], [sflag:s8] =	dma.local @!p0 [hbm:s6], $0xF7A  }
0x23: {  	s9 =	sor.u32 $0xD0000000, s2;
	s6 =	simm.s32 $0x108;
	_ =	swait.ge @!p0 [sflag:s8], $0x0  }
0x24: {  	s3 =	sadd.s32 $0x88, s3;
	s6 =	simm.s32 @!p1 $0x1082;
	[sflag:s4] =	ssyncset.s32 $0xFFFFF086  }
0x25: {  	[simem:s6], [sflag:s4] =	dma.local [hbm:s3], $0xF7A  }
0x26: {  	[smem:$0x3F9B] =	sst s1;
	(tag) =	ssettag s2;
	_ =	strace s9  }
0x27: {  	s1 =	sld [smem:$0x3FAB]  }
0x28: {  	s2 =	sld [smem:$0x3FAC]  }
0x29: {  	s4 =	sld [smem:$0x3FAE]  }
0x2a: {  	p0 =	seq.s32 s5, $0x0;
	s5 =	sld [smem:$0x3FAF]  }
0x2b: {  	s6 =	sld [smem:$0x3FB0]  }
0x2c: {  	s7 =	sld [smem:$0x3FB1]  }
0x2d: {  	s3 =	simm.s32 $0x108;
	s8 =	sld [smem:$0x3FB2]  }
0x2e: {  	s3 =	simm.s32 @!p0 $0x1082;
	s9 =	sld [smem:$0x3FB3]  }
0x2f: {  	lr =	sadd.s32 s0, s3;
	s0 =	sld [smem:$0x3FAA]  }
0x30: {  	s3 =	sld [smem:$0x3FAD]  }
0x31: {  	[smem:$0x3FB6] =	sst s10  }
0x32: {  	s10 =	sld [smem:$0x3FB4];
	_ =	sdelay $0x3  }
0x33: {  	p0 =	seq.s32 s10, $0x1;
	s10 =	sld [smem:$0x3FB6];
	_ =	sdelay $0x3  }
0x34: {  	[smem:$0x3FB6] =	sst s10  }
0x35: {  	s10 =	sld [smem:$0x3FB5];
	_ =	sdelay $0x3  }
0x36: {  	p1 =	seq.s32 s10, $0x1;
	s10 =	sld [smem:$0x3FB6];
	_ =	sdelay $0x3  }
0x37: {  	[smem:$0x3FB6] =	sst s10  }
0x38: {  	s10 =	sld [smem:$0x3FB7]  }
0x39: {  	_ = 	snop;
	(pc) =	sbr.ind lr, $3  }
0x3a: {  	_ = 	snop  }
0x3b: {  	_ = 	snop  }
0x3c: {  	p2 =	seq.s32 s10, $0x1;
	s10 =	sld [smem:$0x3FB6]  }
0x3d: {  	_ =	shalt  }
0x3e: {  	_ =	shalt  }
0x3f: {  	_ =	shalt  }
0x40: {  	_ =	shalt  }
0x41: {  	_ =	shalt  }
0x42: {  	_ =	shalt  }
0x43: {  	_ =	shalt  }
0x44: {  	_ =	shalt  }
0x45: {  	_ =	shalt  }
0x46: {  	_ =	shalt  }
0x47: {  	_ =	shalt  }
0x48: {  	_ =	shalt  }
0x49: {  	_ =	shalt  }
0x4a: {  	_ =	shalt  }
0x4b: {  	_ =	shalt  }
0x4c: {  	_ =	shalt  }
0x4d: {  	_ =	shalt  }
0x4e: {  	_ =	shalt  }
0x4f: {  	_ =	shalt  }
0x50: {  	_ =	shalt  }
0x51: {  	_ =	shalt  }
0x52: {  	_ =	shalt  }
0x53: {  	_ =	shalt  }
0x54: {  	_ =	shalt  }
0x55: {  	_ =	shalt  }
0x56: {  	_ =	shalt  }
0x57: {  	_ =	shalt  }
0x58: {  	_ =	shalt  }
0x59: {  	_ =	shalt  }
0x5a: {  	_ =	shalt  }
0x5b: {  	_ =	shalt  }
0x5c: {  	_ =	shalt  }
0x5d: {  	_ =	shalt  }
0x5e: {  	_ =	shalt  }
0x5f: {  	_ =	shalt  }
0x60: {  	_ =	shalt  }
0x61: {  	_ =	shalt  }
0x62: {  	_ =	shalt  }
0x63: {  	_ =	shalt  }
0x64: {  	_ =	shalt  }
0x65: {  	_ =	shalt  }
0x66: {  	_ =	shalt  }
0x67: {  	_ =	shalt  }
0x68: {  	_ =	shalt  }
0x69: {  	_ =	shalt  }
0x6a: {  	_ =	shalt  }
0x6b: {  	_ =	shalt  }
0x6c: {  	_ =	shalt  }
0x6d: {  	_ =	shalt  }
0x6e: {  	_ =	shalt  }
0x6f: {  	_ =	shalt  }
0x70: {  	_ =	shalt  }
0x71: {  	_ =	shalt  }
0x72: {  	_ =	shalt  }
0x73: {  	_ =	shalt  }
0x74: {  	_ =	shalt  }
0x75: {  	_ =	shalt  }
0x76: {  	_ =	shalt  }
0x77: {  	_ =	shalt  }
0x78: {  	_ =	shalt  }
0x79: {  	_ =	shalt  }
0x7a: {  	_ =	shalt  }
0x7b: {  	_ =	shalt  }
0x7c: {  	_ =	shalt  }
0x7d: {  	_ =	shalt  }
0x7e: {  	_ =	shalt  }
0x7f: {  	_ =	shalt  }
0x80: {  	_ =	shalt  }
0x81: {  	_ =	shalt  }
0x82: {  	_ =	shalt  }
0x83: {  	_ =	shalt  }
0x84: {  	_ =	shalt  }
0x85: {  	_ =	shalt  }
0x86: {  	_ =	shalt  }
0x87: {  	_ =	shalt  }
.Lfunc_end0:
.L_simem_size_0:
called_computation_lowered:
.L_overlay_start_0:
0x88: {  	s0 =	sld [smem:$0x3FD9]  }
0x89: {  	s1 =	sld [smem:$0x3FFE];
	_ =	sdelay $0x3  }
0x8a: {  	s0 =	sadd.s32 s1, s0  }
0x8b: {  	[smem:$0x3FC2] =	sst s0  }
0x8c: {  	_ = 	snop  }
0x8d: {  	s0 =	sld [smem:$0x3FC7];
	(tm) =	ssettm $0x1  }
0x8e: {  	s16 =	sld [smem:$0x3FFB];
	_ =	sdelay $0x3  }
0x8f: {  	_ =	strace s16  }
0x90: {  	s1 =	sld [smem:$0x3FFC];
	_ =	sdelay $0x3  }
0x91: {  	_ =	strace s1  }
0x92: {  	s1 =	sld [smem:$0x3FFD];
	_ =	sdelay $0x3  }
0x93: {  	_ =	strace s1  }
0x94: {  	_ =	strace $0x8FFFFFFF  }
0x95: {  	s17 =	sld [smem:$0x3FDB];
	_ =	sdelay $0x1  }
0x96: {  	s2 =	simm.s32 $_scs_section_size  }
0x97: {  	s3 =	simm.s32 $_size__tile_overlayer_lowered;
	s4 =	simm.s32 $_tile_overlayer_lowered  }
0x98: {  	s20 =	simm.s32 $0x1BFF;
	s19 =	sshll.u32 s4, $0x1;
	s1 =	sadd.s32 s2, s17  }
0x99: {  	s5 =	simm.s32 $0x0;
	s18 =	sshll.u32 s3, $0x1;
	s3 =	sadd.s32 s19, s1  }
0x9a: {  	[timem:s5], [sflag:s20] =	dma.local [hbm:s3], s18  }
0x9b: {  	_ =	swait.ge [sflag:s20], s18  }
0x9c: {  	s2 =	ssub.s32 $0x0, s18;
	[sflag:s20] =	ssyncset.done $0x0  }
0x9d: {  	[sflag:s20] =	ssyncadd.s32 s2;
	_ =	sdelay $0x1  }
0x9e: {  	s21 =	simm.s32 $0x1B8B  }
0x9f: {  	_ =	swait.ge [sflag:s21], $0x1  }
0xa0: {  	[sflag:s21] =	ssyncset.done $0x0  }
0xa1: {  	s23 =	simm.s32 $0x1B8E;
	s22 =	sld [smem:$0x3FFE];
	[sflag:s21] =	ssyncadd.s32 $0xFFFFFFFF  }
0xa2: {  	s24 =	simm.s32 $execute0_lowered;
	[smem:$0x3FD2] =	sst s23  }
0xa3: {  	s3 =	sshll.u32 s24, $0x1;
	_ =	strace $0x80000046;
	[dreg:$0x1] =	wrdreg $0xFFFFFFFF  }
0xa4: {  	s25 =	simm.s32 $_size_execute0_lowered;
	s1 =	sadd.s32 s1, s3;
	[dreg:$0x0] =	wrdreg $0x0  }
0xa5: {  	s3 =	sshll.u32 s25, $0x1;
	[dreg:$0x2] =	wrdreg s1  }
0xa6: {  	[dreg:$0x3] =	wrdreg s3  }
0xa7: {  	[dreg:$0x4] =	wrdreg $0xC0  }
0xa8: {  	_ =	task [dreg:s5], $0x5FFFF  }
0xa9: {  	[dreg:$0x1] =	wrdreg $0xFFFFFFFF  }
0xaa: {  	[dreg:$0x0] =	wrdreg $0x60  }
0xab: {  	[dreg:$0x2] =	wrdreg s0  }
0xac: {  	[dreg:$0x3] =	wrdreg s22  }
0xad: {  	[dreg:$0x4] =	wrdreg $0x9  }
0xae: {  	_ =	task.clear_ibuf [dreg:s5], $0x5FFFF;
	_ =	strace $0x90000046  }
0xaf: {  	s26 =	simm.s32 $0x9;
	_ =	strace $0x80000048  }
0xb0: {  	_ =	swait.ge [sflag:s26], $0x1  }
0xb1: {  	[sflag:s26] =	ssyncadd.s32 $0xFFFFFFFF  }
0xb2: {  	_ =	strace $0x90000048  }
0xb3: {  	_ =	sfence  }
0xb4: {  	s28 =	sld [smem:$0x0];
	_ =	sdelay $0x1  }
0xb5: {  	s29 =	srdreg.scid  }
0xb6: {  	s30 =	sshll.u32 s29, $0xD;
	s31 =	sshrl.u32 s29, $0x2  }
0xb7: {  	s2 =	sand.u32 $0x4000, s30;
	s1 =	sand.u32 $0x1, s29;
	s0 =	sadd.s32 s31, s28  }
0xb8: {  	s1 =	sor.u32 s2, s1;
	s0 =	sshll.u32 s0, $0x11  }
0xb9: {  	s0 =	sor.u32 s0, s1  }
0xba: {  	s0 =	sadd.s32 $0x8F2B, s0  }
0xbb: {  	[sflag:s0] =	ssyncadd.remote.s32 $0x1  }
0xbc: {  	_ =	sfence.sel $0xFFFF  }
0xbd: {  	[dreg:$0x0] =	wrdreg $0xFFFFFFFF;
	(pc) =	sbr.abs _section_cstart, $3  }
0xbe: {  	[dreg:$0x1] =	wrdreg $0xFFFFFFFF  }
0xbf: {  	_ =	task.clear_ibuf [dreg:s5], $0x2FFFF;
	_ =	strace $0x9FFFFFFF  }
0xc0: {  	(tm) =	ssettm $0x7FFFFFFF  }
0xc1: {  	_ =	shalt  }
tec
execute0_lowered:
.L_overlay_start_1:
0x0: {  	(tag) =	ssettag $0x1  }
0x1: {  	s2 =	rddreg [dreg:$0x0]  }
0x2: {  	s3 =	rddreg [dreg:$0x1]  }
0x3: {  	s0 =	rddreg [dreg:$0x2];
	s4 =	simm.s32 $0x0;
	s1 =	stileid.u32  }
0x4: {  	[smem:$0x7FF] =	sst s4;
	s5 =	sshll.u32 s1, $0x7  }
0x5: {  	s29 =	simm.s32 $0x1;
	_ =	strace $0x80000047;
	s2 =	sadd.s32 s2, s5  }
0x6: {  	[tilespmem:s4], [sflag:$0x1] =	stream.linear.gather [hbm4b:s2+s4], $0x400, $0x38;
	[tilespmem:$0x480] =	vst v63  }
0x7: {  	_ =	swait.ge [sflag:s29], $0x400  }
0x8: {  	[sflag:s29] =	ssyncset.done $0x0  }
0x9: {  	s30 =	simm.s32 $0x0;
	[sflag:s29] =	ssyncadd.s32 $0xFFFFFC00  }
0xa: {  	v1 =	vld [tilespmem:s30+$0x10];
	_ =	sdelay $0x1  }
0xb: {  	v2 =	vld [tilespmem:s30+$0x0];
	_ =	sdelay $0x2  }
0xc: {  	v0 =	vimm.f32 $0.0e+00;
	vm1 =	vlt.s32 v1, $0x1  }
0xd: {  	vm2 =	veq.s32 v1, $0x1;
	vm3 =	veq.s32 v1, $0x2;
	vm0 =	veq.s32 v1, $0x3  }
0xe: {  	s31 =	simm.s32 $0x20;
	vm4 =	vlt.s32 v2, $0x1;
	vm5 =	veq.s32 v2, $0x1;
	vm6 =	veq.s32 v2, $0x2  }
0xf: {  	vm7 =	veq.s32 v2, $0x3;
	v2 =	vld [tilespmem:s31+$0x10];
	v3 =	vsel vm1, $0x3F800000, v0;
	v4 =	vsel vm2, $0x3F800000, v0  }
0x10: {  	v1 =	vsel vm4, $0x3F800000, v0;
	v6 =	vsel vm5, $0x3F800000, v0;
	v7 =	vsel vm6, $0x3F800000, v0  }
0x11: {  	v8 =	vsel vm7, $0x3F800000, v0;
	v5 =	vadd.f32 v1, v0;
	v6 =	vadd.f32 v6, v0;
	v1 =	vld [tilespmem:s31+$0x0]  }
0x12: {  	s2 =	sadd.s32 $0x1000, s3;
	s3 =	simm.s32 $0x100;
	v9 =	vsel vm3, $0x3F800000, v0;
	v7 =	vadd.f32 v7, v0;
	v8 =	vadd.f32 v8, v0  }
.LBB2_1:
0x13: {  	p0 =	sne.s32 s3, $0xF80;
	v5 =	vadd.f32 v3, v5;
	v6 =	vadd.f32 v4, v6;
	v3 =	vsel vm0, $0x3F800000, v0  }
0x14: {  	vm1 =	vlt.s32 v2, $0x1;
	v7 =	vadd.f32 v9, v7;
	v8 =	vadd.f32 v3, v8  }
0x15: {  	vm2 =	veq.s32 v2, $0x1;
	vm3 =	veq.s32 v2, $0x2;
	vm0 =	veq.s32 v2, $0x3  }
.Ltmp0:
0x16: {  	s4 =	sshra.s32 s3, $0x2;
	vm4 =	vlt.s32 v1, $0x1;
	vm5 =	veq.s32 v1, $0x1;
	vm6 =	veq.s32 v1, $0x2;
	(pc) =	sbr.rel @p0 .LBB2_1-.Ltmp0, $4  }
0x17: {  	v3 =	vsel vm1, $0x3F800000, v0;
	v4 =	vsel vm2, $0x3F800000, v0;
	vm7 =	veq.s32 v1, $0x3;
	v2 =	vld [tilespmem:s4+$0x10]  }
0x18: {  	v9 =	vsel vm4, $0x3F800000, v0;
	v10 =	vsel vm5, $0x3F800000, v0;
	v11 =	vsel vm6, $0x3F800000, v0  }
0x19: {  	v5 =	vadd.f32 v9, v5;
	v6 =	vadd.f32 v10, v6;
	v9 =	vsel vm7, $0x3F800000, v0;
	v1 =	vld [tilespmem:s4+$0x0]  }
0x1a: {  	s3 =	sadd.s32 $0x80, s3;
	v7 =	vadd.f32 v11, v7;
	v8 =	vadd.f32 v9, v8;
	v9 =	vsel vm3, $0x3F800000, v0  }
0x1b: {  	v3 =	vadd.f32 v3, v5  }
0x1c: {  	v4 =	vadd.f32 v4, v6;
	v28 =	vsel vm0, $0x3F800000, v0;
	v30 =	vimm.s32 $0xFEDCBA98  }
0x1d: {  	v32 =	vimm.s32 $0x76543210;
	v37 =	vimm.s32 $0xBA98FEDC;
	v38 =	vimm.s32 $0x32107654  }
0x1e: {  	v44 =	vimm.s32 $0xDCFE98BA;
	v45 =	vimm.s32 $0x54761032;
	v50 =	vimm.s32 $0xEFCDAB89  }
0x1f: {  	v51 =	vimm.s32 $0x67452301;
	vm1 =	vlt.s32 v2, $0x1;
	v29 =	vadd.f32 v9, v7  }
0x20: {  	v5 =	vadd.f32 v28, v8;
	vm2 =	veq.s32 v2, $0x1;
	vm15 =	veq.s32 v2, $0x2  }
0x21: {  	v7 =	vunpack.c.l.s4.s8 v30;
	v33 =	vunpack.c.l.s4.s8 v32;
	vm4 =	veq.s32 v2, $0x3  }
0x22: {  	v8 =	vunpack.c.l.s4.s8 v38;
	v9 =	vunpack.c.l.s4.s8 v51;
	v35 =	vsel vm1, $0x3F800000, v0  }
0x23: {  	v10 =	vsel vm2, $0x3F800000, v0;
	v46 =	vsel vm15, $0x3F800000, v0;
	v47 =	vsel vm4, $0x3F800000, v0  }
0x24: {  	vm3 =	vlt.s32 v1, $0x1;
	vm8 =	veq.s32 v1, $0x1;
	v7 =	vunpack.c.0.s8.s32 v7  }
0x25: {  	v36 =	vunpack.c.0.s8.s32 v33;
	vm9 =	veq.s32 v1, $0x2;
	vm10 =	veq.s32 v1, $0x3  }
0x26: {  	v8 =	vunpack.c.0.s8.s32 v8;
	v31 =	vsel vm3, $0x3F800000, v0;
	v34 =	vsel vm8, $0x3F800000, v0  }
0x27: {  	v39 =	vsel vm9, $0x3F800000, v0;
	v3 =	vadd.f32 v31, v3;
	v7 =	vand.u32 $0xF, v7  }
0x28: {  	v2 =	vadd.f32 v34, v4;
	v4 =	vcombine.low v7, v36;
	v7 =	vunpack.c.l.s4.s8 v37  }
0x29: {  	v42 =	vsel vm10, $0x3F800000, v0;
	v40 =	vadd.f32 v39, v29;
	v3 =	vadd.f32 v35, v3  }
0x2a: {  	v9 =	vunpack.c.0.s8.s32 v9;
	v5 =	vadd.f32 v42, v5;
	v7 =	vunpack.c.0.s8.s32 v7  }
0x2b: {  	v2 =	vadd.f32 v10, v2;
	v1 =	vadd.f32 v46, v40;
	v41 =	vperm.xlane v3, v4  }
0x2c: {  	v43 =	vcombine.low v8, v7;
	v7 =	vunpack.c.l.s4.s8 v44;
	v8 =	vunpack.c.l.s4.s8 v45  }
0x2d: {  	v0 =	vadd.f32 v47, v5;
	v49 =	vperm.xlane v2, v4;
	v3 =	vadd.f32 v41, v3  }
0x2e: {  	v6 =	vand.u32 $0xF, v43;
	v7 =	vunpack.c.0.s8.s32 v7;
	v8 =	vunpack.c.0.s8.s32 v8  }
0x2f: {  	v52 =	vperm.xlane v1, v4;
	v2 =	vadd.f32 v49, v2;
	v48 =	vperm.xlane v3, v6  }
0x30: {  	v4 =	vperm.xlane v0, v4;
	v7 =	vcombine.low v8, v7;
	v8 =	vunpack.c.l.s4.s8 v50  }
0x31: {  	v1 =	vadd.f32 v52, v1;
	v53 =	vperm.xlane v2, v6;
	v3 =	vadd.f32 v48, v3  }
0x32: {  	v0 =	vadd.f32 v4, v0;
	v7 =	vand.u32 $0xF, v7;
	v8 =	vunpack.c.0.s8.s32 v8  }
0x33: {  	v55 =	vperm.xlane v1, v6;
	v2 =	vadd.f32 v53, v2;
	v54 =	vperm.xlane v3, v7  }
0x34: {  	v6 =	vperm.xlane v0, v6;
	v8 =	vcombine.low v9, v8  }
0x35: {  	v1 =	vadd.f32 v55, v1;
	v56 =	vperm.xlane v2, v7;
	v3 =	vadd.f32 v54, v3  }
0x36: {  	v0 =	vadd.f32 v6, v0;
	v57 =	vand.u32 $0xF, v8  }
0x37: {  	v59 =	vperm.xlane v1, v7;
	v2 =	vadd.f32 v56, v2;
	v58 =	vperm.xlane v3, v57  }
0x38: {  	v7 =	vperm.xlane v0, v7  }
0x39: {  	v1 =	vadd.f32 v59, v1;
	v60 =	vperm.xlane v2, v57;
	v3 =	vadd.f32 v58, v3  }
0x3a: {  	v0 =	vadd.f32 v7, v0  }
0x3b: {  	v4 =	vperm.xlane v1, v57;
	v2 =	vadd.f32 v60, v2;
	v61 =	vsub.f32 $1.024000000e+03, v3;
	_ =	sdelay $0x1  }
0x3c: {  	v5 =	vperm.xlane v0, v57;
	v1 =	vadd.f32 v4, v1;
	v62 =	vsub.f32 v61, v2  }
0x3d: {  	vm11 =	vmmov $0x1;
	vm12 =	vcmask $0x314  }
0x3e: {  	v0 =	vadd.f32 v5, v0;
	v3 =	vnsel vm11, $0x0, v3;
	v4 =	vsub.f32 v62, v1  }
0x3f: {  	vm13 =	vcmask $0x714;
	v2 =	vsel vm12, v3, v2  }
0x40: {  	vm14 =	vcmask $0xB14;
	v1 =	vsel vm13, v2, v1;
	v63 =	vsub.f32 v4, v0  }
0x41: {  	vm15 =	vcmask $0xF14;
	v0 =	vsel vm14, v1, v0  }
0x42: {  	s3 =	sshll.u32 s1, $0x4;
	s30 =	simm.s32 $0x0;
	v0 =	vsel vm15, v0, v63  }
0x43: {  	s4 =	simm.s32 $0x400;
	s31 =	simm.s32 $0x1;
	s2 =	sadd.s32 s2, s3;
	[tilespmem:$0x400] =	vst v0  }
0x44: {  	[hbm4b:s2+s30] =	stream.linear.scatter [tilespmem:s4], [sflag:$0x1], $0x80, $0x38;
	[tilespmem:$0x480] =	vst v63  }
0x45: {  	_ =	swait.ge [sflag:s31], $0x80  }
0x46: {  	[sflag:s31] =	ssyncset.done $0x0  }
0x47: {  	[sflag:s31] =	ssyncadd.s32 $0xFFFFFF80  }
0x48: {  	_ =	sfence.sel $0x180000  }
0x49: {  	[bflag:$0x0] =	sbarrier.arrive $0xFFFF  }
0x4a: {  	p0 =	sne.s32 s1, $0x0;
	_ =	strace $0x90000047  }
0x4b: {  	s0 =	sadd.s32 @!p0 $0x100000, s0;
	[bflag:$0x2] =	sbarrier.arrive $0xFFFF  }
0x4c: {  	[sflag:s0] =	ssyncadd.tile.s32 @!p0 $0x1;
	_ =	shalt  }
.Lfunc_end2:
_tile_overlayer_lowered:
.L_overlay_start_2:
0x4d: {  	(tag) =	ssettag $0x2  }
0x4e: {  	s0 =	rddreg [dreg:$0x0];
	s2 =	stileid.u32  }
0x4f: {  	s1 =	rddreg [dreg:$0x1];
	p0 =	sne.s32 s2, $0x0  }
0x50: {  	s3 =	rddreg [dreg:$0x2];
	[bflag:$0x3] =	sbarrier.arrive $0xFFFF;
	s2 =	simm.s32 @!p0 $0x1C01  }
0x51: {  	[timem:s3], [sflag:s2] =	dma.local @!p0 [hbm:s0], s1  }
0x52: {  	s0 =	simm.s32 @!p0 $0x1  }
0x53: {  	_ =	swait.ge @!p0 [sflag:s0], s1  }
0x54: {  	s1 =	ssub.s32 @!p0 $0x0, s1;
	[sflag:s0] =	ssyncset.done @!p0 $0x0  }
0x55: {  	[sflag:s0] =	ssyncadd.s32 @!p0 s1  }
0x56: {  	[bflag:$0x3] =	sbarrier.arrive $0xFFFF  }
0x57: {  	_ =	shalt  }

</sc_bundles>
